<compile_context>
chip_gen: v7x
topology: tpu7x:2x2x1
jax: 0.10.2.dev20260603
libtpu: 0.0.44.dev20260713+nightly
codegen_flags: <defaults>
</compile_context>

<pallas_src>
import functools

import jax
import jax.numpy as jnp
from jax import lax
from jax.experimental import pallas as pl
from jax.experimental.pallas import tpu as pltpu
from jax.experimental.pallas import tpu_sc as plsc

N = 10000
D = 128
H = 128
W = 10
E = 320000

_NC = 2
_NS = 16
_LANES = 16
_DH = D // _NC
_EW = E // _NS
_ECHUNK = 400
_ENCHUNK = _EW // _ECHUNK
_NPAD = 10240
_RPT = _NPAD // _NS


def _segsum_body(h_hbm, src_hbm, dst_hbm, zrow_hbm, zdeg_hbm, ones_hbm,
                 agg_hbm, deg_hbm,
                 src_v0, src_v1, dst_v0, dst_v1, rows_v0, rows_v1, ones_v,
                 acc_sh, hist_sh, sem0, sem1):
    c = lax.axis_index("c")
    s = lax.axis_index("s")
    pltpu.sync_copy(zrow_hbm, acc_sh.at[pl.ds(s * _RPT, _RPT)])
    pltpu.sync_copy(zdeg_hbm, hist_sh.at[pl.ds(s * _RPT, _RPT)])
    pltpu.sync_copy(ones_hbm, ones_v)
    plsc.subcore_barrier()

    def pair(j, carry):
        b0 = s * _EW + (2 * j) * _ECHUNK
        b1 = b0 + _ECHUNK
        pltpu.sync_copy(src_hbm.at[pl.ds(b0, _ECHUNK)], src_v0)
        g0 = pltpu.async_copy(h_hbm.at[c].at[src_v0], rows_v0, sem0)
        pltpu.sync_copy(src_hbm.at[pl.ds(b1, _ECHUNK)], src_v1)
        g1 = pltpu.async_copy(h_hbm.at[c].at[src_v1], rows_v1, sem1)
        pltpu.sync_copy(dst_hbm.at[pl.ds(b0, _ECHUNK)], dst_v0)
        g0.wait()
        pltpu.sync_copy(rows_v0, acc_sh.at[dst_v0], add=True)

        @pl.when(c == 0)
        def _():
            pltpu.sync_copy(ones_v, hist_sh.at[dst_v0], add=True)

        pltpu.sync_copy(dst_hbm.at[pl.ds(b1, _ECHUNK)], dst_v1)
        g1.wait()
        pltpu.sync_copy(rows_v1, acc_sh.at[dst_v1], add=True)

        @pl.when(c == 0)
        def _():
            pltpu.sync_copy(ones_v, hist_sh.at[dst_v1], add=True)

        return carry

    lax.fori_loop(0, _ENCHUNK // 2, pair, 0)
    plsc.subcore_barrier()
    pltpu.sync_copy(acc_sh.at[pl.ds(s * _RPT, _RPT)],
                    agg_hbm.at[c, pl.ds(s * _RPT, _RPT)])

    @pl.when(c == 0)
    def _():
        pltpu.sync_copy(hist_sh.at[pl.ds(s * _RPT, _RPT)],
                        deg_hbm.at[pl.ds(s * _RPT, _RPT)])


@jax.jit
def _sc_segment_sum(h, src, dst):
    mesh = plsc.VectorSubcoreMesh(core_axis_name="c", subcore_axis_name="s")
    kern = pl.kernel(
        _segsum_body,
        mesh=mesh,
        compiler_params=pltpu.CompilerParams(use_tc_tiling_on_sc=False),
        out_type=(
            jax.ShapeDtypeStruct((_NC, _NPAD, _DH), jnp.float32),
            jax.ShapeDtypeStruct((_NPAD, _LANES), jnp.float32),
        ),
        scratch_types=[
            pltpu.VMEM((_ECHUNK,), jnp.int32),
            pltpu.VMEM((_ECHUNK,), jnp.int32),
            pltpu.VMEM((_ECHUNK,), jnp.int32),
            pltpu.VMEM((_ECHUNK,), jnp.int32),
            pltpu.VMEM((_ECHUNK, _DH), jnp.float32),
            pltpu.VMEM((_ECHUNK, _DH), jnp.float32),
            pltpu.VMEM((_ECHUNK, _LANES), jnp.float32),
            pltpu.VMEM_SHARED((_NPAD, _DH), jnp.float32),
            pltpu.VMEM_SHARED((_NPAD, _LANES), jnp.float32),
            pltpu.SemaphoreType.DMA,
            pltpu.SemaphoreType.DMA,
        ],
    )
    hsplit = jnp.stack([h[:, :_DH], h[:, _DH:]])
    zrow = jnp.zeros((_RPT, _DH), jnp.float32)
    zdeg = jnp.zeros((_RPT, _LANES), jnp.float32)
    ones = jnp.ones((_ECHUNK, _LANES), jnp.float32)
    return kern(hsplit, src, dst, zrow, zdeg, ones)


_GCHUNK = 400


def _make_gather_body(nchunk):
    def body(table_hbm, idx_hbm, out_hbm,
             idx_all, rows_v0, rows_v1, gsem0, gsem1, wsem0, wsem1):
        c = lax.axis_index("c")
        s = lax.axis_index("s")
        w = s * _NC + c
        per_w = nchunk * _GCHUNK
        base = w * per_w
        rows = (rows_v0, rows_v1)
        gsem = (gsem0, gsem1)
        wsem = (wsem0, wsem1)
        g = [None, None]
        wb = [None, None]
        pltpu.sync_copy(idx_hbm.at[pl.ds(base, per_w)], idx_all)
        g[0] = pltpu.async_copy(
            table_hbm.at[idx_all.at[pl.ds(0, _GCHUNK)]], rows[0], gsem[0])
        for i in range(nchunk):
            cur = i % 2
            nxt = (i + 1) % 2
            if i + 1 < nchunk:
                if i >= 1:
                    wb[nxt].wait()
                g[nxt] = pltpu.async_copy(
                    table_hbm.at[idx_all.at[pl.ds((i + 1) * _GCHUNK, _GCHUNK)]],
                    rows[nxt], gsem[nxt])
            g[cur].wait()
            wb[cur] = pltpu.async_copy(
                rows[cur], out_hbm.at[pl.ds(base + i * _GCHUNK, _GCHUNK)],
                wsem[cur])
        wb[(nchunk - 1) % 2].wait()
        if nchunk > 1:
            wb[(nchunk - 2) % 2].wait()

    return body


def _sc_gather_rows(table, idx_flat):
    npad = idx_flat.shape[0]
    nchunk = npad // (_NC * _NS * _GCHUNK)
    mesh = plsc.VectorSubcoreMesh(core_axis_name="c", subcore_axis_name="s")
    kern = pl.kernel(
        _make_gather_body(nchunk),
        mesh=mesh,
        out_type=jax.ShapeDtypeStruct((npad, D), jnp.float32),
        scratch_types=[
            pltpu.VMEM((nchunk * _GCHUNK,), jnp.int32),
            pltpu.VMEM((_GCHUNK, D), jnp.float32),
            pltpu.VMEM((_GCHUNK, D), jnp.float32),
            pltpu.SemaphoreType.DMA,
            pltpu.SemaphoreType.DMA,
            pltpu.SemaphoreType.DMA,
            pltpu.SemaphoreType.DMA,
        ],
    )
    return kern(table, idx_flat)


_LB = 400
_LGRID = N // _LB


def _make_lstm_body(lb):
  def _lstm_tc_body(xs_ref, xn_ref, s1_ref, wih1, whh1, wih2, whh2, b1r, b2r,
                  h1_o, hn_o, h2s_o, ns_o):
    i = pl.program_id(0)
    s1 = s1_ref[...]
    zero = jnp.zeros((lb, H), jnp.float32)
    h1 = c1 = h2 = c2 = hn = cn = zero
    ns_cols = []
    for t in range(W):
        xt = xs_ref[:, t * D:(t + 1) * D]
        z = (lax.dot(xt, wih1[...], preferred_element_type=jnp.float32)
             + h1 @ whh1[...] + b1r[...])
        ig = jax.nn.sigmoid(z[:, 0:H])
        fg = jax.nn.sigmoid(z[:, H:2 * H])
        gg = jnp.tanh(z[:, 2 * H:3 * H])
        og = jax.nn.sigmoid(z[:, 3 * H:4 * H])
        c1 = fg * c1 + ig * gg
        h1 = og * jnp.tanh(c1)

        z2 = h1 @ wih2[...] + h2 @ whh2[...] + b2r[...]
        ig2 = jax.nn.sigmoid(z2[:, 0:H])
        fg2 = jax.nn.sigmoid(z2[:, H:2 * H])
        gg2 = jnp.tanh(z2[:, 2 * H:3 * H])
        og2 = jax.nn.sigmoid(z2[:, 3 * H:4 * H])
        c2 = fg2 * c2 + ig2 * gg2
        h2 = og2 * jnp.tanh(c2)

        xnt = xn_ref[:, t * D:(t + 1) * D]
        zn = (lax.dot(xnt, wih1[...], preferred_element_type=jnp.float32)
              + hn @ whh1[...] + b1r[...])
        ign = jax.nn.sigmoid(zn[:, 0:H])
        fgn = jax.nn.sigmoid(zn[:, H:2 * H])
        ggn = jnp.tanh(zn[:, 2 * H:3 * H])
        ogn = jax.nn.sigmoid(zn[:, 3 * H:4 * H])
        cn = fgn * cn + ign * ggn
        hn = ogn * jnp.tanh(cn)

        ns_cols.append(
            jnp.sum(s1 * xt.astype(jnp.float32), axis=1, keepdims=True))

    h1_o[...] = h1
    hn_o[...] = hn
    ns_o[...] = jnp.concatenate(
        ns_cols + [jnp.zeros((lb, D - W), jnp.float32)], axis=1)

    @pl.when(i == 0)
    def _():
        h2s_o[...] = jnp.zeros((1, H), jnp.float32)

    h2s_o[...] += jnp.sum(h2, axis=0, keepdims=True)

  return _lstm_tc_body


def _lstm_tc(x_sub, x_neg, seq1, p, interpret=False):
    n = x_sub.shape[0]
    lb = _LB if n % _LB == 0 else n
    grid = n // lb
    out_shape = (
        jax.ShapeDtypeStruct((n, H), jnp.float32),
        jax.ShapeDtypeStruct((n, H), jnp.float32),
        jax.ShapeDtypeStruct((1, H), jnp.float32),
        jax.ShapeDtypeStruct((n, D), jnp.float32),
    )
    full = lambda shp: pl.BlockSpec(shp, lambda i: (0,) * len(shp))
    row_blk = pl.BlockSpec((lb, H), lambda i: (i, 0))
    return pl.pallas_call(
        _make_lstm_body(lb),
        grid=(grid,),
        in_specs=[
            pl.BlockSpec((lb, W * D), lambda i: (i, 0)),
            pl.BlockSpec((lb, W * D), lambda i: (i, 0)),
            row_blk,
            full((D, 4 * H)), full((H, 4 * H)), full((H, 4 * H)),
            full((H, 4 * H)), full((1, 4 * H)), full((1, 4 * H)),
        ],
        out_specs=(
            row_blk, row_blk, pl.BlockSpec((1, H), lambda i: (0, 0)),
            row_blk,
        ),
        out_shape=out_shape,
        interpret=interpret,
    )(x_sub, x_neg, seq1,
      p["Wih1"], p["Whh1"], p["Wih2"], p["Whh2"],
      p["b1"].reshape(1, 4 * H), p["b2"].reshape(1, 4 * H))


def _t1_body(s1_ref, wg1_ref, out_ref):
    out_ref[...] = s1_ref[...] @ wg1_ref[...]


def _t1_kernel(seq1, Wg1):
    return pl.pallas_call(
        _t1_body,
        out_shape=jax.ShapeDtypeStruct((N, D), jnp.float32),
    )(seq1, Wg1)


def _make_mid_body(with_matmul):
    def body(*args):
        if with_matmul:
            a0_r, a1_r, dr_r, wg2_r, out_r = args
        else:
            a0_r, a1_r, dr_r, out_r = args
        a = jnp.concatenate([a0_r[0], a1_r[0]], axis=1)
        degc = jnp.maximum(dr_r[:, 0:1], 1.0)
        f = jax.nn.relu(a / degc)
        out_r[...] = f @ wg2_r[...] if with_matmul else f

    return body


def _gcn_mid(aggp, deg_rows, Wg2=None):
    lb = _LB
    with_matmul = Wg2 is not None
    in_specs = [
        pl.BlockSpec((1, lb, _DH), lambda i: (0, i, 0)),
        pl.BlockSpec((1, lb, _DH), lambda i: (1, i, 0)),
        pl.BlockSpec((lb, _LANES), lambda i: (i, 0)),
    ]
    ops = [aggp, aggp, deg_rows]
    if with_matmul:
        in_specs.append(pl.BlockSpec((D, D), lambda i: (0, 0)))
        ops.append(Wg2)
    return pl.pallas_call(
        _make_mid_body(with_matmul),
        grid=(_LGRID,),
        in_specs=in_specs,
        out_specs=pl.BlockSpec((lb, D), lambda i: (i, 0)),
        out_shape=jax.ShapeDtypeStruct((N, D), jnp.float32),
    )(*ops)


def _make_post_body(lb):
  def body(h1_r, hn_r, s1_r, g_r, nsp_r, h2s_r, sb_r,
           wl1, bl1, wl2, bl2, wa1a, wa1b, wa1c, ba1, wa2, ba2, wa3, ba3,
           wdT, wf1, bf1, wf2, bf2, wf3, bf3,
           w2f1, b2f1, w2f2, b2f2, w2f3, b2f3,
           wls1, bls1, wls2, bls2, wls3, bls3,
           sc_o, fl_o, fl2_o, fl3_o):
    i = pl.program_id(0)
    relu = jax.nn.relu
    h1 = h1_r[...]
    s1 = s1_r[...]
    pat = relu(lax.dot(g_r[...], wl1[...],
                       preferred_element_type=jnp.float32) + bl1[...])
    pat = relu(pat @ wl2[...] + bl2[...])
    fea = relu(h1 @ wa1a[...] + s1 @ wa1b[...] + pat @ wa1c[...] + ba1[...])
    fea = relu(fea @ wa2[...] + ba2[...])
    fea = fea @ wa3[...] + ba3[...]
    cvec = jax.nn.sigmoid(h2s_r[...] * (1.0 / N))
    vrow = cvec @ wdT[...]
    sc1 = jnp.sum(h1 * vrow, axis=1, keepdims=True)
    sc2 = jnp.sum(hn_r[...] * vrow, axis=1, keepdims=True)
    sc_o[...] = jnp.concatenate([sc1, sc2], axis=1) + sb_r[...]

    rec1 = relu(h1 @ wf1[...] + bf1[...])
    rec1 = relu(rec1 @ wf2[...] + bf2[...])
    d1 = s1 - (rec1 @ wf3[...] + bf3[...])
    rec2 = relu(fea @ w2f1[...] + b2f1[...])
    rec2 = relu(rec2 @ w2f2[...] + b2f2[...])
    d2 = s1 - (rec2 @ w2f3[...] + b2f3[...])
    nbd = relu(h1 @ wls1[...] + bls1[...])
    nbd = relu(nbd @ wls2[...] + bls2[...])
    d3 = nsp_r[...] - (nbd @ wls3[...] + bls3[...])

    @pl.when(i == 0)
    def _():
        fl_o[...] = jnp.zeros((1, 1), jnp.float32)
        fl2_o[...] = jnp.zeros((1, 1), jnp.float32)
        fl3_o[...] = jnp.zeros((1, 1), jnp.float32)

    fl_o[...] += jnp.sum(d1 * d1).reshape(1, 1)
    fl2_o[...] += jnp.sum(d2 * d2).reshape(1, 1)
    fl3_o[...] += jnp.sum(d3 * d3).reshape(1, 1)

  return body


def _post_kernel(h1, hn, seq1, g, ns_pad, h2sum, sb, p):
    lb = _LB
    full = lambda shp: pl.BlockSpec(shp, lambda i: (0,) * len(shp))
    row = lambda w: pl.BlockSpec((lb, w), lambda i: (i, 0))
    wls3p = jnp.pad(p["Wls3"], ((0, 0), (0, D - W)))
    bls3p = jnp.pad(p["bls3"], (0, D - W)).reshape(1, D)
    b = lambda name: p[name].reshape(1, -1)
    in_specs = [row(H), row(H), row(D), row(W * D), row(D), full((1, H)),
                row(2)]
    weights = [
        p["Wl1"], b("bl1"), p["Wl2"], b("bl2"),
        p["Wa1"][:H], p["Wa1"][H:H + D], p["Wa1"][H + D:], b("ba1"),
        p["Wa2"], b("ba2"), p["Wa3"], b("ba3"),
        p["Wd"].T,
        p["Wf1"], b("bf1"), p["Wf2"], b("bf2"), p["Wf3"], b("bf3"),
        p["W2f1"], b("b2f1"), p["W2f2"], b("b2f2"), p["W2f3"], b("b2f3"),
        p["Wls1"], b("bls1"), p["Wls2"], b("bls2"), wls3p, bls3p,
    ]
    in_specs += [full(w.shape) for w in weights]
    return pl.pallas_call(
        _make_post_body(lb),
        grid=(_LGRID,),
        in_specs=in_specs,
        out_specs=(row(2),
                   pl.BlockSpec((1, 1), lambda i: (0, 0)),
                   pl.BlockSpec((1, 1), lambda i: (0, 0)),
                   pl.BlockSpec((1, 1), lambda i: (0, 0))),
        out_shape=(jax.ShapeDtypeStruct((N, 2), jnp.float32),
                   jax.ShapeDtypeStruct((1, 1), jnp.float32),
                   jax.ShapeDtypeStruct((1, 1), jnp.float32),
                   jax.ShapeDtypeStruct((1, 1), jnp.float32)),
    )(h1, hn, seq1, g, ns_pad, h2sum, sb, *weights)


def kernel(seq1, neg, tmp, edge_index, msk, samp_bias1, samp_bias2, subgraph, params):
    p = params
    src, dst = edge_index[0], edge_index[1]

    nw = N * W
    blk = _NC * _NS * _GCHUNK
    pad2 = (-2 * nw) % blk
    both_idx = jnp.concatenate(
        [subgraph.reshape(nw), neg.reshape(nw), jnp.zeros((pad2,), jnp.int32)])
    gathered = _sc_gather_rows(seq1, both_idx)
    x_sub = gathered[:nw].reshape(N, W * D)
    x_neg = gathered[nw:2 * nw].reshape(N, W * D)
    h1, h_neg, h2sum, ns_pad = _lstm_tc(x_sub, x_neg, seq1, p)

    t1 = _t1_kernel(seq1, p["Wg1"])
    agg1p, degp = _sc_segment_sum(t1, src, dst)
    t2 = _gcn_mid(agg1p, degp, p["Wg2"])
    agg2p, _ = _sc_segment_sum(t2, src, dst)
    f2 = _gcn_mid(agg2p, degp)

    padg = (-nw) % blk
    tmp_idx = jnp.concatenate([tmp.reshape(nw), jnp.zeros((padg,), jnp.int32)])
    g = _sc_gather_rows(f2, tmp_idx)[:nw].reshape(N, W * D)

    sb = jnp.stack([samp_bias1, samp_bias2], axis=1)
    scores, fl_s, fl2_s, fl3_s = _post_kernel(
        h1, h_neg, seq1, g, ns_pad, h2sum, sb, p)
    ret = jnp.concatenate([scores[:, 0], scores[:, 1]])
    total = (fl_s[0, 0] / (N * D) + fl2_s[0, 0] / (N * D)
             + 1e-07 * fl3_s[0, 0] / (N * W))
    return ret, total

# --- scband reference (transcript-rebuilt; emitter-appended) ---
"""Pipeline reference for scband-dgi-27358941675805 (READ-ONLY COPY).

The authoritative reference and input builder live on the scoring server;
editing this copy changes nothing except your own understanding.
"""

import jax, jax.numpy as jnp
import numpy as np

N = 10000; D = 128; H = 128; W = 10; E = 320000

_PARAM_SHAPES = {
    "Wg1": (D, D), "Wg2": (D, D),
    "Wih1": (D, 4 * H), "Whh1": (H, 4 * H), "b1": (4 * H,),
    "Wih2": (H, 4 * H), "Whh2": (H, 4 * H), "b2": (4 * H,),
    "Wl1": (W * D, H), "bl1": (H,), "Wl2": (H, H), "bl2": (H,),
    "Wd": (H, H),
    "Wa1": (2 * H + D, H), "ba1": (H,), "Wa2": (H, H), "ba2": (H,), "Wa3": (H, H), "ba3": (H,),
    "Wf1": (H, H), "bf1": (H,), "Wf2": (H, H), "bf2": (H,), "Wf3": (H, D), "bf3": (D,),
    "W2f1": (H, H), "b2f1": (H,), "W2f2": (H, H), "b2f2": (H,), "W2f3": (H, D), "b2f3": (D,),
    "Wls1": (H, H), "bls1": (H,), "Wls2": (H, H), "bls2": (H,), "Wls3": (H, W), "bls3": (W,),
    "Wsg1": (H, H), "bsg1": (H,), "Wsg2": (H, H), "bsg2": (H,), "Wsg3": (H, D), "bsg3": (D,),
}

def setup_inputs(seed: int = 0):
    key = jax.random.key(seed)
    seq1 = jax.random.normal(jax.random.fold_in(key, 0), (N, D), dtype=jnp.float32)
    neg = jax.random.randint(jax.random.fold_in(key, 1), (N, W), 0, N)
    tmp = jax.random.randint(jax.random.fold_in(key, 2), (N, W), 0, N)
    edge_index = jax.random.randint(jax.random.fold_in(key, 3), (2, E), 0, N)
    subgraph = jax.random.randint(jax.random.fold_in(key, 4), (N, W), 0, N)
    subgraph = subgraph.at[:, 0].set(jnp.arange(N))  # subgraph[i][0] == i (feaid in the torch code)
    msk = jnp.ones((N,), jnp.float32)
    samp_bias1 = jnp.zeros((N,), jnp.float32)
    samp_bias2 = jnp.zeros((N,), jnp.float32)
    params = {}
    for i, (name, shp) in enumerate(sorted(_PARAM_SHAPES.items())):
        params[name] = 0.05 * jax.random.normal(jax.random.fold_in(key, 100 + i), shp, dtype=jnp.float32)
    return {"seq1": seq1, "neg": neg, "tmp": tmp, "edge_index": edge_index, "msk": msk,
            "samp_bias1": samp_bias1, "samp_bias2": samp_bias2, "subgraph": subgraph, "params": params}

def _gcn(x, Wm, src, dst, n):
    h = x @ Wm
    agg = jax.ops.segment_sum(h[src], dst, num_segments=n)
    deg = jax.ops.segment_sum(jnp.ones((src.shape[0],), jnp.float32), dst, num_segments=n)
    return jax.nn.relu(agg / jnp.clip(deg, 1.0, None)[:, None])

def _lstm(x_seq, Wih, Whh, b):
    n = x_seq.shape[0]
    h0 = jnp.zeros((n, H), jnp.float32)
    c0 = jnp.zeros((n, H), jnp.float32)
    def step(carry, xt):
        h, c = carry
        z = xt @ Wih + h @ Whh + b
        i, f, g, o = jnp.split(z, 4, axis=-1)
        c = jax.nn.sigmoid(f) * c + jax.nn.sigmoid(i) * jnp.tanh(g)
        h = jax.nn.sigmoid(o) * jnp.tanh(c)
        return (h, c), h
    (h, c), hs = jax.lax.scan(step, (h0, c0), jnp.swapaxes(x_seq, 0, 1))
    return h, jnp.swapaxes(hs, 0, 1)

def _lstm_context(seq, sub, p):
    x = seq[sub]  # big gather: [N, W, D]
    h1, hs1 = _lstm(x, p["Wih1"], p["Whh1"], p["b1"])
    h2, _ = _lstm(hs1, p["Wih2"], p["Whh2"], p["b2"])
    c_out = jax.nn.sigmoid(jnp.mean(h2, axis=0))
    return h1, h2, c_out

def _mlp3(x, W1, b1, W2, b2, W3, b3):
    h = jax.nn.relu(x @ W1 + b1)
    h = jax.nn.relu(h @ W2 + b2)
    return h @ W3 + b3

def _forward(seq1, msk, samp_bias1, samp_bias2, params, neg, tmp, edge_index, subgraph):
    p = params
    n = seq1.shape[0]
    src, dst = edge_index[0], edge_index[1]
    h1, h2, c_out = _lstm_context(seq1, subgraph, p)
    fea_subgraph = _gcn(seq1, p["Wg1"], src, dst, n)
    fea_subgraph = _gcn(fea_subgraph, p["Wg2"], src, dst, n)
    g = fea_subgraph[tmp].reshape(n, W * D)  # LRPE: concat subgraph features
    pat = jax.nn.relu(g @ p["Wl1"] + p["bl1"])
    pat = jax.nn.relu(pat @ p["Wl2"] + p["bl2"])
    c = jax.nn.sigmoid(jnp.sum(h1 * msk[:, None], axis=0) / jnp.sum(msk))  # AvgReadout + sigm (unused downstream, as in torch)
    h_neg, _, _ = _lstm_context(seq1, neg, p)
    feaid = subgraph[:, 0]
    new_input = jnp.concatenate([h1, seq1[feaid], pat], axis=1)
    fea = _mlp3(new_input, p["Wa1"], p["ba1"], p["Wa2"], p["ba2"], p["Wa3"], p["ba3"])
    sc1 = (h1 @ p["Wd"]) @ c_out + samp_bias1
    sc2 = (h_neg @ p["Wd"]) @ c_out + samp_bias2
    ret = jnp.concatenate([sc1, sc2], axis=0)
    neighbor_sim = jnp.einsum('nd,nwd->nw', seq1, seq1[subgraph])  # == (seq1 @ seq1.T)[i][subgraph[i]] without NxN materialization
    nb_dec = _mlp3(h1, p["Wls1"], p["bls1"], p["Wls2"], p["bls2"], p["Wls3"], p["bls3"])
    feature_loss3 = jnp.mean((neighbor_sim - nb_dec) ** 2)
    feature_loss = jnp.mean((seq1 - _mlp3(h1, p["Wf1"], p["bf1"], p["Wf2"], p["bf2"], p["Wf3"], p["bf3"])) ** 2)
    feature_loss2 = jnp.mean((seq1 - _mlp3(fea, p["W2f1"], p["b2f1"], p["W2f2"], p["b2f2"], p["W2f3"], p["b2f3"])) ** 2)
    feature_loss4 = jnp.mean((seq1 - _mlp3(pat, p["Wsg1"], p["bsg1"], p["Wsg2"], p["bsg2"], p["Wsg3"], p["bsg3"])) ** 2)  # printed only in torch, not returned
    total = feature_loss + feature_loss2 + 1e-07 * feature_loss3
    return ret, total

def reference(seq1, neg, tmp, edge_index, msk, samp_bias1, samp_bias2, subgraph, params):
    return _forward(seq1, msk, samp_bias1, samp_bias2, params, neg, tmp, edge_index, subgraph)

if __name__ == "__main__":
    import jax
    _d = setup_inputs()
    print(jax.jit(kernel)(*tuple(_d.values())))

</pallas_src>

<mosaic_0001>
#map = affine_map<(d0, d1) -> (0, 0, 0)>
#map1 = affine_map<(d0, d1) -> (0)>
#map2 = affine_map<(d0, d1) -> (0, 0)>
module attributes {stable_mosaic.version = 14 : i64} {
  func.func @_segsum_body(%arg0: i32, %arg1: i32, %arg2: memref<2x10000x64xf32, #tpu.memory_space<hbm>>, %arg3: memref<320000xi32, #tpu.memory_space<hbm>>, %arg4: memref<320000xi32, #tpu.memory_space<hbm>>, %arg5: memref<640x64xf32, #tpu.memory_space<hbm>>, %arg6: memref<640x16xf32, #tpu.memory_space<hbm>>, %arg7: memref<400x16xf32, #tpu.memory_space<hbm>>, %arg8: memref<2x10240x64xf32, #tpu.memory_space<hbm>>, %arg9: memref<10240x16xf32, #tpu.memory_space<hbm>>, %arg10: memref<400xi32, #tpu.memory_space<vmem>>, %arg11: memref<400xi32, #tpu.memory_space<vmem>>, %arg12: memref<400xi32, #tpu.memory_space<vmem>>, %arg13: memref<400xi32, #tpu.memory_space<vmem>>, %arg14: memref<400x64xf32, #tpu.memory_space<vmem>>, %arg15: memref<400x64xf32, #tpu.memory_space<vmem>>, %arg16: memref<400x16xf32, #tpu.memory_space<vmem>>, %arg17: memref<10240x64xf32, #tpu.memory_space<vmem_shared>>, %arg18: memref<10240x16xf32, #tpu.memory_space<vmem_shared>>, %arg19: memref<!tpu.dma_semaphore, #tpu.memory_space<semaphore_mem>>, %arg20: memref<!tpu.dma_semaphore, #tpu.memory_space<semaphore_mem>>) attributes {dimension_semantics = [#tpu.dimension_semantics<core_parallel>, #tpu.dimension_semantics<subcore_parallel>], iteration_bounds = array<i64: 2, 16>, scalar_prefetch = 0 : i64, scratch_operands = 11 : i64, tpu.core_type = #tpu.core_type<sc_vector_subcore>, window_params = [{transform_indices = #map}, {transform_indices = #map1}, {transform_indices = #map1}, {transform_indices = #map2}, {transform_indices = #map2}, {transform_indices = #map2}, {transform_indices = #map}, {transform_indices = #map2}]} {
    %mul3A = arith.constant 640 : i32
    %mul3A_0 = arith.muli %arg1, %mul3A : i32
    "tpu.region"() ({
      %run_scoped3A = tpu.sem_alloc : memref<!tpu.dma_semaphore, #tpu.memory_space<semaphore_mem>>
      %dma_start3A = arith.constant 0 : i32
      %dma_start3A_15 = tpu.memref_slice %arg17[%mul3A_0, %dma_start3A] : memref<10240x64xf32, #tpu.memory_space<vmem_shared>> -> memref<640x64xf32, #tpu.memory_space<vmem_shared>>
      tpu.enqueue_dma source(%arg5 : memref<640x64xf32, #tpu.memory_space<hbm>>) target(%dma_start3A_15 : memref<640x64xf32, #tpu.memory_space<vmem_shared>>) target_semaphore(%run_scoped3A : memref<!tpu.dma_semaphore, #tpu.memory_space<semaphore_mem>>)
      %dma_wait3A = arith.constant 0 : i32
      %dma_wait3A_16 = tpu.memref_slice %arg17[%mul3A_0, %dma_wait3A] : memref<10240x64xf32, #tpu.memory_space<vmem_shared>> -> memref<640x64xf32, #tpu.memory_space<vmem_shared>>
      tpu.wait_dma2 semaphore(%run_scoped3A : memref<!tpu.dma_semaphore, #tpu.memory_space<semaphore_mem>>) src(%arg5 : memref<640x64xf32, #tpu.memory_space<hbm>>) dst(%dma_wait3A_16 : memref<640x64xf32, #tpu.memory_space<vmem_shared>>)
      tpu.yield
    }) : () -> ()
    %mul3A_1 = arith.constant 640 : i32
    %mul3A_2 = arith.muli %arg1, %mul3A_1 : i32
    "tpu.region"() ({
      %run_scoped3A = tpu.sem_alloc : memref<!tpu.dma_semaphore, #tpu.memory_space<semaphore_mem>>
      %dma_start3A = arith.constant 0 : i32
      %dma_start3A_15 = tpu.memref_slice %arg18[%mul3A_2, %dma_start3A] : memref<10240x16xf32, #tpu.memory_space<vmem_shared>> -> memref<640x16xf32, #tpu.memory_space<vmem_shared>>
      tpu.enqueue_dma source(%arg6 : memref<640x16xf32, #tpu.memory_space<hbm>>) target(%dma_start3A_15 : memref<640x16xf32, #tpu.memory_space<vmem_shared>>) target_semaphore(%run_scoped3A : memref<!tpu.dma_semaphore, #tpu.memory_space<semaphore_mem>>)
      %dma_wait3A = arith.constant 0 : i32
      %dma_wait3A_16 = tpu.memref_slice %arg18[%mul3A_2, %dma_wait3A] : memref<10240x16xf32, #tpu.memory_space<vmem_shared>> -> memref<640x16xf32, #tpu.memory_space<vmem_shared>>
      tpu.wait_dma2 semaphore(%run_scoped3A : memref<!tpu.dma_semaphore, #tpu.memory_space<semaphore_mem>>) src(%arg6 : memref<640x16xf32, #tpu.memory_space<hbm>>) dst(%dma_wait3A_16 : memref<640x16xf32, #tpu.memory_space<vmem_shared>>)
      tpu.yield
    }) : () -> ()
    "tpu.region"() ({
      %run_scoped3A = tpu.sem_alloc : memref<!tpu.dma_semaphore, #tpu.memory_space<semaphore_mem>>
      tpu.enqueue_dma source(%arg7 : memref<400x16xf32, #tpu.memory_space<hbm>>) target(%arg16 : memref<400x16xf32, #tpu.memory_space<vmem>>) target_semaphore(%run_scoped3A : memref<!tpu.dma_semaphore, #tpu.memory_space<semaphore_mem>>)
      tpu.wait_dma2 semaphore(%run_scoped3A : memref<!tpu.dma_semaphore, #tpu.memory_space<semaphore_mem>>) src(%arg7 : memref<400x16xf32, #tpu.memory_space<hbm>>) dst(%arg16 : memref<400x16xf32, #tpu.memory_space<vmem>>)
      tpu.yield
    }) : () -> ()
    %barrier3A = arith.constant 0 : index
    tpu.barrier barrier_id(%barrier3A)
    %scan3A = arith.constant 0 : i32
    %scan3A_3 = arith.constant 0 : i32
    %scan3A_4 = arith.constant 25 : i32
    %scan3A_5 = arith.addi %scan3A_3, %scan3A_4 : i32
    %scan3A_6 = arith.constant 1 : i32
    scf.for %scan3A_15 = %scan3A_3 to %scan3A_5 step %scan3A_6  : i32 {
      %mul3A_16 = arith.constant 20000 : i32
      %mul3A_17 = arith.muli %arg1, %mul3A_16 : i32
      %mul3A_18 = arith.constant 2 : i32
      %mul3A_19 = arith.muli %mul3A_18, %scan3A_15 : i32
      %mul3A_20 = arith.constant 400 : i32
      %mul3A_21 = arith.muli %mul3A_19, %mul3A_20 : i32
      %add3A = arith.addi %mul3A_17, %mul3A_21 : i32
      %add3A_22 = arith.constant 400 : i32
      %add3A_23 = arith.addi %add3A, %add3A_22 : i32
      "tpu.region"() ({
        %run_scoped3A = tpu.sem_alloc : memref<!tpu.dma_semaphore, #tpu.memory_space<semaphore_mem>>
        %dma_start3A_60 = tpu.memref_slice %arg3[%add3A] : memref<320000xi32, #tpu.memory_space<hbm>> -> memref<400xi32, #tpu.memory_space<hbm>>
        %dma_start3A_61 = tpu.memref_slice %arg3[%add3A] : memref<320000xi32, #tpu.memory_space<hbm>> -> memref<400xi32, #tpu.memory_space<hbm>>
        tpu.enqueue_dma source(%dma_start3A_61 : memref<400xi32, #tpu.memory_space<hbm>>) target(%arg10 : memref<400xi32, #tpu.memory_space<vmem>>) target_semaphore(%run_scoped3A : memref<!tpu.dma_semaphore, #tpu.memory_space<semaphore_mem>>)
        %dma_wait3A_62 = tpu.memref_slice %arg3[%add3A] : memref<320000xi32, #tpu.memory_space<hbm>> -> memref<400xi32, #tpu.memory_space<hbm>>
        %dma_wait3A_63 = tpu.memref_slice %arg3[%add3A] : memref<320000xi32, #tpu.memory_space<hbm>> -> memref<400xi32, #tpu.memory_space<hbm>>
        tpu.wait_dma2 semaphore(%run_scoped3A : memref<!tpu.dma_semaphore, #tpu.memory_space<semaphore_mem>>) src(%dma_wait3A_63 : memref<400xi32, #tpu.memory_space<hbm>>) dst(%arg10 : memref<400xi32, #tpu.memory_space<vmem>>)
        tpu.yield
      }) : () -> ()
      %dma_start3A = arith.constant 0 : i32
      %dma_start3A_24 = arith.constant 0 : i32
      %dma_start3A_25 = tpu.memref_slice %arg2[%arg0, %dma_start3A, %dma_start3A_24] : memref<2x10000x64xf32, #tpu.memory_space<hbm>> -> memref<1x10000x64xf32, #tpu.memory_space<hbm>>
      %dma_start3A_26 = tpu.memref_squeeze %dma_start3A_25 : memref<1x10000x64xf32, #tpu.memory_space<hbm>> -> memref<10000x64xf32, #tpu.memory_space<hbm>>
      %dma_start3A_27 = arith.constant 0 : i32
      %dma_start3A_28 = arith.constant 0 : i32
      %dma_start3A_29 = tpu.memref_slice %dma_start3A_26[%dma_start3A_27, %dma_start3A_28] : memref<10000x64xf32, #tpu.memory_space<hbm>> -> memref<10000x64xf32, #tpu.memory_space<hbm>>
      tpu.enqueue_indirect_dma source(%dma_start3A_29 : memref<10000x64xf32, #tpu.memory_space<hbm>>) target(%arg14 : memref<400x64xf32, #tpu.memory_space<vmem>>) offsets(%arg10 : memref<400xi32, #tpu.memory_space<vmem>>) semaphore(%arg19 : memref<!tpu.dma_semaphore, #tpu.memory_space<semaphore_mem>>)
      "tpu.region"() ({
        %run_scoped3A = tpu.sem_alloc : memref<!tpu.dma_semaphore, #tpu.memory_space<semaphore_mem>>
        %dma_start3A_60 = tpu.memref_slice %arg3[%add3A_23] : memref<320000xi32, #tpu.memory_space<hbm>> -> memref<400xi32, #tpu.memory_space<hbm>>
        %dma_start3A_61 = tpu.memref_slice %arg3[%add3A_23] : memref<320000xi32, #tpu.memory_space<hbm>> -> memref<400xi32, #tpu.memory_space<hbm>>
        tpu.enqueue_dma source(%dma_start3A_61 : memref<400xi32, #tpu.memory_space<hbm>>) target(%arg11 : memref<400xi32, #tpu.memory_space<vmem>>) target_semaphore(%run_scoped3A : memref<!tpu.dma_semaphore, #tpu.memory_space<semaphore_mem>>)
        %dma_wait3A_62 = tpu.memref_slice %arg3[%add3A_23] : memref<320000xi32, #tpu.memory_space<hbm>> -> memref<400xi32, #tpu.memory_space<hbm>>
        %dma_wait3A_63 = tpu.memref_slice %arg3[%add3A_23] : memref<320000xi32, #tpu.memory_space<hbm>> -> memref<400xi32, #tpu.memory_space<hbm>>
        tpu.wait_dma2 semaphore(%run_scoped3A : memref<!tpu.dma_semaphore, #tpu.memory_space<semaphore_mem>>) src(%dma_wait3A_63 : memref<400xi32, #tpu.memory_space<hbm>>) dst(%arg11 : memref<400xi32, #tpu.memory_space<vmem>>)
        tpu.yield
      }) : () -> ()
      %dma_start3A_30 = arith.constant 0 : i32
      %dma_start3A_31 = arith.constant 0 : i32
      %dma_start3A_32 = tpu.memref_slice %arg2[%arg0, %dma_start3A_30, %dma_start3A_31] : memref<2x10000x64xf32, #tpu.memory_space<hbm>> -> memref<1x10000x64xf32, #tpu.memory_space<hbm>>
      %dma_start3A_33 = tpu.memref_squeeze %dma_start3A_32 : memref<1x10000x64xf32, #tpu.memory_space<hbm>> -> memref<10000x64xf32, #tpu.memory_space<hbm>>
      %dma_start3A_34 = arith.constant 0 : i32
      %dma_start3A_35 = arith.constant 0 : i32
      %dma_start3A_36 = tpu.memref_slice %dma_start3A_33[%dma_start3A_34, %dma_start3A_35] : memref<10000x64xf32, #tpu.memory_space<hbm>> -> memref<10000x64xf32, #tpu.memory_space<hbm>>
      tpu.enqueue_indirect_dma source(%dma_start3A_36 : memref<10000x64xf32, #tpu.memory_space<hbm>>) target(%arg15 : memref<400x64xf32, #tpu.memory_space<vmem>>) offsets(%arg11 : memref<400xi32, #tpu.memory_space<vmem>>) semaphore(%arg20 : memref<!tpu.dma_semaphore, #tpu.memory_space<semaphore_mem>>)
      "tpu.region"() ({
        %run_scoped3A = tpu.sem_alloc : memref<!tpu.dma_semaphore, #tpu.memory_space<semaphore_mem>>
        %dma_start3A_60 = tpu.memref_slice %arg4[%add3A] : memref<320000xi32, #tpu.memory_space<hbm>> -> memref<400xi32, #tpu.memory_space<hbm>>
        %dma_start3A_61 = tpu.memref_slice %arg4[%add3A] : memref<320000xi32, #tpu.memory_space<hbm>> -> memref<400xi32, #tpu.memory_space<hbm>>
        tpu.enqueue_dma source(%dma_start3A_61 : memref<400xi32, #tpu.memory_space<hbm>>) target(%arg12 : memref<400xi32, #tpu.memory_space<vmem>>) target_semaphore(%run_scoped3A : memref<!tpu.dma_semaphore, #tpu.memory_space<semaphore_mem>>)
        %dma_wait3A_62 = tpu.memref_slice %arg4[%add3A] : memref<320000xi32, #tpu.memory_space<hbm>> -> memref<400xi32, #tpu.memory_space<hbm>>
        %dma_wait3A_63 = tpu.memref_slice %arg4[%add3A] : memref<320000xi32, #tpu.memory_space<hbm>> -> memref<400xi32, #tpu.memory_space<hbm>>
        tpu.wait_dma2 semaphore(%run_scoped3A : memref<!tpu.dma_semaphore, #tpu.memory_space<semaphore_mem>>) src(%dma_wait3A_63 : memref<400xi32, #tpu.memory_space<hbm>>) dst(%arg12 : memref<400xi32, #tpu.memory_space<vmem>>)
        tpu.yield
      }) : () -> ()
      %dma_wait3A = arith.constant 0 : i32
      %dma_wait3A_37 = arith.constant 0 : i32
      %dma_wait3A_38 = tpu.memref_slice %arg2[%arg0, %dma_wait3A, %dma_wait3A_37] : memref<2x10000x64xf32, #tpu.memory_space<hbm>> -> memref<1x10000x64xf32, #tpu.memory_space<hbm>>
      %dma_wait3A_39 = tpu.memref_squeeze %dma_wait3A_38 : memref<1x10000x64xf32, #tpu.memory_space<hbm>> -> memref<10000x64xf32, #tpu.memory_space<hbm>>
      %dma_wait3A_40 = arith.constant 0 : i32
      %dma_wait3A_41 = arith.constant 0 : i32
      %dma_wait3A_42 = tpu.memref_slice %dma_wait3A_39[%dma_wait3A_40, %dma_wait3A_41] : memref<10000x64xf32, #tpu.memory_space<hbm>> -> memref<10000x64xf32, #tpu.memory_space<hbm>>
      tpu.wait_indirect_dma semaphore(%arg19 : memref<!tpu.dma_semaphore, #tpu.memory_space<semaphore_mem>>) src(%dma_wait3A_42 : memref<10000x64xf32, #tpu.memory_space<hbm>>) dst(%arg14 : memref<400x64xf32, #tpu.memory_space<vmem>>)
      "tpu.region"() ({
        %run_scoped3A = tpu.sem_alloc : memref<!tpu.dma_semaphore, #tpu.memory_space<semaphore_mem>>
        %dma_start3A_60 = arith.constant 0 : i32
        %dma_start3A_61 = arith.constant 0 : i32
        %dma_start3A_62 = tpu.memref_slice %arg17[%dma_start3A_60, %dma_start3A_61] : memref<10240x64xf32, #tpu.memory_space<vmem_shared>> -> memref<10240x64xf32, #tpu.memory_space<vmem_shared>>
        tpu.enqueue_indirect_dma source(%arg14 : memref<400x64xf32, #tpu.memory_space<vmem>>) target(%dma_start3A_62 : memref<10240x64xf32, #tpu.memory_space<vmem_shared>>) offsets(%arg12 : memref<400xi32, #tpu.memory_space<vmem>>) semaphore(%run_scoped3A : memref<!tpu.dma_semaphore, #tpu.memory_space<semaphore_mem>>) {add = true}
        %dma_wait3A_63 = arith.constant 0 : i32
        %dma_wait3A_64 = arith.constant 0 : i32
        %dma_wait3A_65 = tpu.memref_slice %arg17[%dma_wait3A_63, %dma_wait3A_64] : memref<10240x64xf32, #tpu.memory_space<vmem_shared>> -> memref<10240x64xf32, #tpu.memory_space<vmem_shared>>
        tpu.wait_indirect_dma semaphore(%run_scoped3A : memref<!tpu.dma_semaphore, #tpu.memory_space<semaphore_mem>>) src(%arg14 : memref<400x64xf32, #tpu.memory_space<vmem>>) dst(%dma_wait3A_65 : memref<10240x64xf32, #tpu.memory_space<vmem_shared>>)
        tpu.yield
      }) : () -> ()
      %eq3A_43 = arith.constant 0 : i32
      %eq3A_44 = arith.cmpi eq, %arg0, %eq3A_43 : i32
      %convert_element_type3A_45 = arith.extui %eq3A_44 : i1 to i32
      %cond3A_46 = arith.constant 0 : i32
      %cond3A_47 = arith.cmpi ne, %convert_element_type3A_45, %cond3A_46 : i32
      scf.if %cond3A_47 {
        "tpu.region"() ({
          %run_scoped3A = tpu.sem_alloc : memref<!tpu.dma_semaphore, #tpu.memory_space<semaphore_mem>>
          %dma_start3A_60 = arith.constant 0 : i32
          %dma_start3A_61 = arith.constant 0 : i32
          %dma_start3A_62 = tpu.memref_slice %arg18[%dma_start3A_60, %dma_start3A_61] : memref<10240x16xf32, #tpu.memory_space<vmem_shared>> -> memref<10240x16xf32, #tpu.memory_space<vmem_shared>>
          tpu.enqueue_indirect_dma source(%arg16 : memref<400x16xf32, #tpu.memory_space<vmem>>) target(%dma_start3A_62 : memref<10240x16xf32, #tpu.memory_space<vmem_shared>>) offsets(%arg12 : memref<400xi32, #tpu.memory_space<vmem>>) semaphore(%run_scoped3A : memref<!tpu.dma_semaphore, #tpu.memory_space<semaphore_mem>>) {add = true}
          %dma_wait3A_63 = arith.constant 0 : i32
          %dma_wait3A_64 = arith.constant 0 : i32
          %dma_wait3A_65 = tpu.memref_slice %arg18[%dma_wait3A_63, %dma_wait3A_64] : memref<10240x16xf32, #tpu.memory_space<vmem_shared>> -> memref<10240x16xf32, #tpu.memory_space<vmem_shared>>
          tpu.wait_indirect_dma semaphore(%run_scoped3A : memref<!tpu.dma_semaphore, #tpu.memory_space<semaphore_mem>>) src(%arg16 : memref<400x16xf32, #tpu.memory_space<vmem>>) dst(%dma_wait3A_65 : memref<10240x16xf32, #tpu.memory_space<vmem_shared>>)
          tpu.yield
        }) : () -> ()
      } else {
      }
      "tpu.region"() ({
        %run_scoped3A = tpu.sem_alloc : memref<!tpu.dma_semaphore, #tpu.memory_space<semaphore_mem>>
        %dma_start3A_60 = tpu.memref_slice %arg4[%add3A_23] : memref<320000xi32, #tpu.memory_space<hbm>> -> memref<400xi32, #tpu.memory_space<hbm>>
        %dma_start3A_61 = tpu.memref_slice %arg4[%add3A_23] : memref<320000xi32, #tpu.memory_space<hbm>> -> memref<400xi32, #tpu.memory_space<hbm>>
        tpu.enqueue_dma source(%dma_start3A_61 : memref<400xi32, #tpu.memory_space<hbm>>) target(%arg13 : memref<400xi32, #tpu.memory_space<vmem>>) target_semaphore(%run_scoped3A : memref<!tpu.dma_semaphore, #tpu.memory_space<semaphore_mem>>)
        %dma_wait3A_62 = tpu.memref_slice %arg4[%add3A_23] : memref<320000xi32, #tpu.memory_space<hbm>> -> memref<400xi32, #tpu.memory_space<hbm>>
        %dma_wait3A_63 = tpu.memref_slice %arg4[%add3A_23] : memref<320000xi32, #tpu.memory_space<hbm>> -> memref<400xi32, #tpu.memory_space<hbm>>
        tpu.wait_dma2 semaphore(%run_scoped3A : memref<!tpu.dma_semaphore, #tpu.memory_space<semaphore_mem>>) src(%dma_wait3A_63 : memref<400xi32, #tpu.memory_space<hbm>>) dst(%arg13 : memref<400xi32, #tpu.memory_space<vmem>>)
        tpu.yield
      }) : () -> ()
      %dma_wait3A_48 = arith.constant 0 : i32
      %dma_wait3A_49 = arith.constant 0 : i32
      %dma_wait3A_50 = tpu.memref_slice %arg2[%arg0, %dma_wait3A_48, %dma_wait3A_49] : memref<2x10000x64xf32, #tpu.memory_space<hbm>> -> memref<1x10000x64xf32, #tpu.memory_space<hbm>>
      %dma_wait3A_51 = tpu.memref_squeeze %dma_wait3A_50 : memref<1x10000x64xf32, #tpu.memory_space<hbm>> -> memref<10000x64xf32, #tpu.memory_space<hbm>>
      %dma_wait3A_52 = arith.constant 0 : i32
      %dma_wait3A_53 = arith.constant 0 : i32
      %dma_wait3A_54 = tpu.memref_slice %dma_wait3A_51[%dma_wait3A_52, %dma_wait3A_53] : memref<10000x64xf32, #tpu.memory_space<hbm>> -> memref<10000x64xf32, #tpu.memory_space<hbm>>
      tpu.wait_indirect_dma semaphore(%arg20 : memref<!tpu.dma_semaphore, #tpu.memory_space<semaphore_mem>>) src(%dma_wait3A_54 : memref<10000x64xf32, #tpu.memory_space<hbm>>) dst(%arg15 : memref<400x64xf32, #tpu.memory_space<vmem>>)
      "tpu.region"() ({
        %run_scoped3A = tpu.sem_alloc : memref<!tpu.dma_semaphore, #tpu.memory_space<semaphore_mem>>
        %dma_start3A_60 = arith.constant 0 : i32
        %dma_start3A_61 = arith.constant 0 : i32
        %dma_start3A_62 = tpu.memref_slice %arg17[%dma_start3A_60, %dma_start3A_61] : memref<10240x64xf32, #tpu.memory_space<vmem_shared>> -> memref<10240x64xf32, #tpu.memory_space<vmem_shared>>
        tpu.enqueue_indirect_dma source(%arg15 : memref<400x64xf32, #tpu.memory_space<vmem>>) target(%dma_start3A_62 : memref<10240x64xf32, #tpu.memory_space<vmem_shared>>) offsets(%arg13 : memref<400xi32, #tpu.memory_space<vmem>>) semaphore(%run_scoped3A : memref<!tpu.dma_semaphore, #tpu.memory_space<semaphore_mem>>) {add = true}
        %dma_wait3A_63 = arith.constant 0 : i32
        %dma_wait3A_64 = arith.constant 0 : i32
        %dma_wait3A_65 = tpu.memref_slice %arg17[%dma_wait3A_63, %dma_wait3A_64] : memref<10240x64xf32, #tpu.memory_space<vmem_shared>> -> memref<10240x64xf32, #tpu.memory_space<vmem_shared>>
        tpu.wait_indirect_dma semaphore(%run_scoped3A : memref<!tpu.dma_semaphore, #tpu.memory_space<semaphore_mem>>) src(%arg15 : memref<400x64xf32, #tpu.memory_space<vmem>>) dst(%dma_wait3A_65 : memref<10240x64xf32, #tpu.memory_space<vmem_shared>>)
        tpu.yield
      }) : () -> ()
      %eq3A_55 = arith.constant 0 : i32
      %eq3A_56 = arith.cmpi eq, %arg0, %eq3A_55 : i32
      %convert_element_type3A_57 = arith.extui %eq3A_56 : i1 to i32
      %cond3A_58 = arith.constant 0 : i32
      %cond3A_59 = arith.cmpi ne, %convert_element_type3A_57, %cond3A_58 : i32
      scf.if %cond3A_59 {
        "tpu.region"() ({
          %run_scoped3A = tpu.sem_alloc : memref<!tpu.dma_semaphore, #tpu.memory_space<semaphore_mem>>
          %dma_start3A_60 = arith.constant 0 : i32
          %dma_start3A_61 = arith.constant 0 : i32
          %dma_start3A_62 = tpu.memref_slice %arg18[%dma_start3A_60, %dma_start3A_61] : memref<10240x16xf32, #tpu.memory_space<vmem_shared>> -> memref<10240x16xf32, #tpu.memory_space<vmem_shared>>
          tpu.enqueue_indirect_dma source(%arg16 : memref<400x16xf32, #tpu.memory_space<vmem>>) target(%dma_start3A_62 : memref<10240x16xf32, #tpu.memory_space<vmem_shared>>) offsets(%arg13 : memref<400xi32, #tpu.memory_space<vmem>>) semaphore(%run_scoped3A : memref<!tpu.dma_semaphore, #tpu.memory_space<semaphore_mem>>) {add = true}
          %dma_wait3A_63 = arith.constant 0 : i32
          %dma_wait3A_64 = arith.constant 0 : i32
          %dma_wait3A_65 = tpu.memref_slice %arg18[%dma_wait3A_63, %dma_wait3A_64] : memref<10240x16xf32, #tpu.memory_space<vmem_shared>> -> memref<10240x16xf32, #tpu.memory_space<vmem_shared>>
          tpu.wait_indirect_dma semaphore(%run_scoped3A : memref<!tpu.dma_semaphore, #tpu.memory_space<semaphore_mem>>) src(%arg16 : memref<400x16xf32, #tpu.memory_space<vmem>>) dst(%dma_wait3A_65 : memref<10240x16xf32, #tpu.memory_space<vmem_shared>>)
          tpu.yield
        }) : () -> ()
      } else {
      }
    }
    %scan3A_7 = arith.constant 25 : i32
    %barrier3A_8 = arith.constant 0 : index
    tpu.barrier barrier_id(%barrier3A_8)
    %mul3A_9 = arith.constant 640 : i32
    %mul3A_10 = arith.muli %arg1, %mul3A_9 : i32
    %mul3A_11 = arith.constant 640 : i32
    %mul3A_12 = arith.muli %arg1, %mul3A_11 : i32
    "tpu.region"() ({
      %run_scoped3A = tpu.sem_alloc : memref<!tpu.dma_semaphore, #tpu.memory_space<semaphore_mem>>
      %dma_start3A = arith.constant 0 : i32
      %dma_start3A_15 = tpu.memref_slice %arg8[%arg0, %mul3A_12, %dma_start3A] : memref<2x10240x64xf32, #tpu.memory_space<hbm>> -> memref<1x640x64xf32, #tpu.memory_space<hbm>>
      %dma_start3A_16 = tpu.memref_squeeze %dma_start3A_15 : memref<1x640x64xf32, #tpu.memory_space<hbm>> -> memref<640x64xf32, #tpu.memory_space<hbm>>
      %dma_start3A_17 = arith.constant 0 : i32
      %dma_start3A_18 = tpu.memref_slice %arg17[%mul3A_10, %dma_start3A_17] : memref<10240x64xf32, #tpu.memory_space<vmem_shared>> -> memref<640x64xf32, #tpu.memory_space<vmem_shared>>
      tpu.enqueue_dma source(%dma_start3A_18 : memref<640x64xf32, #tpu.memory_space<vmem_shared>>) target(%dma_start3A_16 : memref<640x64xf32, #tpu.memory_space<hbm>>) target_semaphore(%run_scoped3A : memref<!tpu.dma_semaphore, #tpu.memory_space<semaphore_mem>>)
      %dma_wait3A = arith.constant 0 : i32
      %dma_wait3A_19 = tpu.memref_slice %arg8[%arg0, %mul3A_12, %dma_wait3A] : memref<2x10240x64xf32, #tpu.memory_space<hbm>> -> memref<1x640x64xf32, #tpu.memory_space<hbm>>
      %dma_wait3A_20 = tpu.memref_squeeze %dma_wait3A_19 : memref<1x640x64xf32, #tpu.memory_space<hbm>> -> memref<640x64xf32, #tpu.memory_space<hbm>>
      %dma_wait3A_21 = arith.constant 0 : i32
      %dma_wait3A_22 = tpu.memref_slice %arg17[%mul3A_10, %dma_wait3A_21] : memref<10240x64xf32, #tpu.memory_space<vmem_shared>> -> memref<640x64xf32, #tpu.memory_space<vmem_shared>>
      tpu.wait_dma2 semaphore(%run_scoped3A : memref<!tpu.dma_semaphore, #tpu.memory_space<semaphore_mem>>) src(%dma_wait3A_22 : memref<640x64xf32, #tpu.memory_space<vmem_shared>>) dst(%dma_wait3A_20 : memref<640x64xf32, #tpu.memory_space<hbm>>)
      tpu.yield
    }) : () -> ()
    %eq3A = arith.constant 0 : i32
    %eq3A_13 = arith.cmpi eq, %arg0, %eq3A : i32
    %convert_element_type3A = arith.extui %eq3A_13 : i1 to i32
    %cond3A = arith.constant 0 : i32
    %cond3A_14 = arith.cmpi ne, %convert_element_type3A, %cond3A : i32
    scf.if %cond3A_14 {
      %mul3A_15 = arith.constant 640 : i32
      %mul3A_16 = arith.muli %arg1, %mul3A_15 : i32
      %mul3A_17 = arith.constant 640 : i32
      %mul3A_18 = arith.muli %arg1, %mul3A_17 : i32
      "tpu.region"() ({
        %run_scoped3A = tpu.sem_alloc : memref<!tpu.dma_semaphore, #tpu.memory_space<semaphore_mem>>
        %dma_start3A = arith.constant 0 : i32
        %dma_start3A_19 = tpu.memref_slice %arg9[%mul3A_18, %dma_start3A] : memref<10240x16xf32, #tpu.memory_space<hbm>> -> memref<640x16xf32, #tpu.memory_space<hbm>>
        %dma_start3A_20 = arith.constant 0 : i32
        %dma_start3A_21 = tpu.memref_slice %arg18[%mul3A_16, %dma_start3A_20] : memref<10240x16xf32, #tpu.memory_space<vmem_shared>> -> memref<640x16xf32, #tpu.memory_space<vmem_shared>>
        tpu.enqueue_dma source(%dma_start3A_21 : memref<640x16xf32, #tpu.memory_space<vmem_shared>>) target(%dma_start3A_19 : memref<640x16xf32, #tpu.memory_space<hbm>>) target_semaphore(%run_scoped3A : memref<!tpu.dma_semaphore, #tpu.memory_space<semaphore_mem>>)
        %dma_wait3A = arith.constant 0 : i32
        %dma_wait3A_22 = tpu.memref_slice %arg9[%mul3A_18, %dma_wait3A] : memref<10240x16xf32, #tpu.memory_space<hbm>> -> memref<640x16xf32, #tpu.memory_space<hbm>>
        %dma_wait3A_23 = arith.constant 0 : i32
        %dma_wait3A_24 = tpu.memref_slice %arg18[%mul3A_16, %dma_wait3A_23] : memref<10240x16xf32, #tpu.memory_space<vmem_shared>> -> memref<640x16xf32, #tpu.memory_space<vmem_shared>>
        tpu.wait_dma2 semaphore(%run_scoped3A : memref<!tpu.dma_semaphore, #tpu.memory_space<semaphore_mem>>) src(%dma_wait3A_24 : memref<640x16xf32, #tpu.memory_space<vmem_shared>>) dst(%dma_wait3A_22 : memref<640x16xf32, #tpu.memory_space<hbm>>)
        tpu.yield
      }) : () -> ()
    } else {
    }
    return
  }
}

</mosaic_0001>

<sc_bundles>
// kernel: _sc_segment_sum.3.cloned.1.call-start
scs
__scs_entry_jumppad:
0x0: {  	(pc) =	sbr.rel $0x88, $3  }
0x1: {  	(tag) =	ssettag $0x0;
	lr =	simm.s32 $0x1  }
0x2: {  	[smem:$0x3F9E] =	sst lr;
	_ =	strace $0xD0000000  }
0x3: {  	_ = 	snop  }
0x4: {  	_ = 	snop  }
0x5: {  	_ = 	snop  }
0x6: {  	_ = 	snop  }
0x7: {  	_ = 	snop  }
__scs_overlays_trampoline_lowered:
0x8: {  	[smem:$0x3FAD] =	sst s0  }
0x9: {  	[smem:$0x3FAE] =	sst s1  }
0xa: {  	[smem:$0x3FAF] =	sst s2  }
0xb: {  	[smem:$0x3FB0] =	sst s3  }
0xc: {  	[smem:$0x3FB1] =	sst s4  }
0xd: {  	[smem:$0x3FB2] =	sst s5  }
0xe: {  	[smem:$0x3FB3] =	sst s6  }
0xf: {  	[smem:$0x3FB4] =	sst s7  }
0x10: {  	[smem:$0x3FB5] =	sst s8  }
0x11: {  	[smem:$0x3FB6] =	sst s9;
	s0 =	simm.s32 @!p0 $0x0  }
0x12: {  	s1 =	sld [smem:$0x3F9C];
	s0 =	simm.s32 @p0 $0x1  }
0x13: {  	[smem:$0x3FB7] =	sst s0;
	s0 =	simm.s32 @!p1 $0x0  }
0x14: {  	s2 =	sld [smem:$0x3F9B];
	s0 =	simm.s32 @p1 $0x1  }
0x15: {  	[smem:$0x3FB8] =	sst s0;
	s0 =	simm.s32 @!p2 $0x0  }
0x16: {  	s3 =	sld [smem:$0x3FDB];
	s0 =	simm.s32 @p2 $0x1  }
0x17: {  	s4 =	simm.s32 $0x1BF5;
	[smem:$0x3FBA] =	sst s0  }
0x18: {  	s0 =	sld [smem:$0x3F9D];
	_ =	swait.ge [sflag:s4], $0x0  }
0x19: {  	s7 =	sld [smem:$0x3F9E]  }
0x1a: {  	s8 =	sadd.s32 $0xFFFFE003, lr  }
0x1b: {  	s9 =	sadd.s32 $0xFFFFFEF7, lr;
	s5 =	simm.s32 $0xFFFFFFFF;
	p2 =	slt.u32 s8, $0xFFFFF086  }
0x1c: {  	p1 =	slt.u32 s9, $0xF7A;
	s5 =	simm.s32 @!p2 $0x0  }
0x1d: {  	s5 =	simm.s32 @p1 $0x1;
	p0 =	seq.s32 s7, s2  }
0x1e: {  	s7 =	smul.u32 @!p0 $0xF7A, s2;
	p2 =	seq.s32 @!p0 s5, $0x0  }
0x1f: {  	s9 =	smul.u32 $0xF7A, s1;
	s8 =	simm.s32 @!p0 $0x1BF5;
	p2 =	por !p2, p0  }
0x20: {  	[sflag:s8] =	ssyncset.s32 @!p0 $0xFFFFF086;
	s6 =	sadd.s32 @!p0 s3, s7;
	s7 =	simm.s32 @!p0 $0x108  }
0x21: {  	s3 =	sadd.s32 s3, s9;
	s6 =	sadd.s32 @!p0 $0x88, s6;
	s7 =	simm.s32 @p2 $0x1082  }
0x22: {  	[simem:s7], [sflag:s8] =	dma.local @!p0 [hbm:s6], $0xF7A  }
0x23: {  	s9 =	sor.u32 $0xD0000000, s2;
	s6 =	simm.s32 $0x108;
	_ =	swait.ge @!p0 [sflag:s8], $0x0  }
0x24: {  	s3 =	sadd.s32 $0x88, s3;
	s6 =	simm.s32 @!p1 $0x1082;
	[sflag:s4] =	ssyncset.s32 $0xFFFFF086  }
0x25: {  	[simem:s6], [sflag:s4] =	dma.local [hbm:s3], $0xF7A  }
0x26: {  	[smem:$0x3F9E] =	sst s1;
	(tag) =	ssettag s2;
	_ =	strace s9  }
0x27: {  	s1 =	sld [smem:$0x3FAE]  }
0x28: {  	s2 =	sld [smem:$0x3FAF]  }
0x29: {  	s4 =	sld [smem:$0x3FB1]  }
0x2a: {  	p0 =	seq.s32 s5, $0x0;
	s5 =	sld [smem:$0x3FB2]  }
0x2b: {  	s6 =	sld [smem:$0x3FB3]  }
0x2c: {  	s7 =	sld [smem:$0x3FB4]  }
0x2d: {  	s3 =	simm.s32 $0x108;
	s8 =	sld [smem:$0x3FB5]  }
0x2e: {  	s3 =	simm.s32 @!p0 $0x1082;
	s9 =	sld [smem:$0x3FB6]  }
0x2f: {  	lr =	sadd.s32 s0, s3;
	s0 =	sld [smem:$0x3FAD]  }
0x30: {  	s3 =	sld [smem:$0x3FB0]  }
0x31: {  	[smem:$0x3FB9] =	sst s10  }
0x32: {  	s10 =	sld [smem:$0x3FB7];
	_ =	sdelay $0x3  }
0x33: {  	p0 =	seq.s32 s10, $0x1;
	s10 =	sld [smem:$0x3FB9];
	_ =	sdelay $0x3  }
0x34: {  	[smem:$0x3FB9] =	sst s10  }
0x35: {  	s10 =	sld [smem:$0x3FB8];
	_ =	sdelay $0x3  }
0x36: {  	p1 =	seq.s32 s10, $0x1;
	s10 =	sld [smem:$0x3FB9];
	_ =	sdelay $0x3  }
0x37: {  	[smem:$0x3FB9] =	sst s10  }
0x38: {  	s10 =	sld [smem:$0x3FBA]  }
0x39: {  	_ = 	snop;
	(pc) =	sbr.ind lr, $3  }
0x3a: {  	_ = 	snop  }
0x3b: {  	_ = 	snop  }
0x3c: {  	p2 =	seq.s32 s10, $0x1;
	s10 =	sld [smem:$0x3FB9]  }
0x3d: {  	_ =	shalt  }
0x3e: {  	_ =	shalt  }
0x3f: {  	_ =	shalt  }
0x40: {  	_ =	shalt  }
0x41: {  	_ =	shalt  }
0x42: {  	_ =	shalt  }
0x43: {  	_ =	shalt  }
0x44: {  	_ =	shalt  }
0x45: {  	_ =	shalt  }
0x46: {  	_ =	shalt  }
0x47: {  	_ =	shalt  }
0x48: {  	_ =	shalt  }
0x49: {  	_ =	shalt  }
0x4a: {  	_ =	shalt  }
0x4b: {  	_ =	shalt  }
0x4c: {  	_ =	shalt  }
0x4d: {  	_ =	shalt  }
0x4e: {  	_ =	shalt  }
0x4f: {  	_ =	shalt  }
0x50: {  	_ =	shalt  }
0x51: {  	_ =	shalt  }
0x52: {  	_ =	shalt  }
0x53: {  	_ =	shalt  }
0x54: {  	_ =	shalt  }
0x55: {  	_ =	shalt  }
0x56: {  	_ =	shalt  }
0x57: {  	_ =	shalt  }
0x58: {  	_ =	shalt  }
0x59: {  	_ =	shalt  }
0x5a: {  	_ =	shalt  }
0x5b: {  	_ =	shalt  }
0x5c: {  	_ =	shalt  }
0x5d: {  	_ =	shalt  }
0x5e: {  	_ =	shalt  }
0x5f: {  	_ =	shalt  }
0x60: {  	_ =	shalt  }
0x61: {  	_ =	shalt  }
0x62: {  	_ =	shalt  }
0x63: {  	_ =	shalt  }
0x64: {  	_ =	shalt  }
0x65: {  	_ =	shalt  }
0x66: {  	_ =	shalt  }
0x67: {  	_ =	shalt  }
0x68: {  	_ =	shalt  }
0x69: {  	_ =	shalt  }
0x6a: {  	_ =	shalt  }
0x6b: {  	_ =	shalt  }
0x6c: {  	_ =	shalt  }
0x6d: {  	_ =	shalt  }
0x6e: {  	_ =	shalt  }
0x6f: {  	_ =	shalt  }
0x70: {  	_ =	shalt  }
0x71: {  	_ =	shalt  }
0x72: {  	_ =	shalt  }
0x73: {  	_ =	shalt  }
0x74: {  	_ =	shalt  }
0x75: {  	_ =	shalt  }
0x76: {  	_ =	shalt  }
0x77: {  	_ =	shalt  }
0x78: {  	_ =	shalt  }
0x79: {  	_ =	shalt  }
0x7a: {  	_ =	shalt  }
0x7b: {  	_ =	shalt  }
0x7c: {  	_ =	shalt  }
0x7d: {  	_ =	shalt  }
0x7e: {  	_ =	shalt  }
0x7f: {  	_ =	shalt  }
0x80: {  	_ =	shalt  }
0x81: {  	_ =	shalt  }
0x82: {  	_ =	shalt  }
0x83: {  	_ =	shalt  }
0x84: {  	_ =	shalt  }
0x85: {  	_ =	shalt  }
0x86: {  	_ =	shalt  }
0x87: {  	_ =	shalt  }
.Lfunc_end0:
.L_simem_size_0:
called_computation_lowered:
.L_overlay_start_0:
0x88: {  	s2 =	sld [smem:$0x3FD9]  }
0x89: {  	s3 =	sld [smem:$0x3FFE];
	_ =	sdelay $0x1  }
0x8a: {  	s1 =	srdreg.scid  }
0x8b: {  	s0 =	sand.u32 $0x1, s1  }
0x8c: {  	s14 =	sshll.u32 s0, $0xA;
	s2 =	sadd.s32 s3, s2  }
0x8d: {  	s2 =	sadd.s32 s2, s14  }
0x8e: {  	[smem:$0x3FC5] =	sst s2  }
0x8f: {  	_ = 	snop  }
0x90: {  	s2 =	sld [smem:$0x3FD0];
	_ =	sdelay $0x1  }
0x91: {  	s15 =	sld [smem:$0x3FC8]  }
0x92: {  	s5 =	simm.s32 $0xA;
	s6 =	simm.s32 $0x10;
	s4 =	sld [smem:$0x3FC7]  }
0x93: {  	[smem:s6], [sflag:s5] =	dma.local [hbm:s2], $0x1  }
0x94: {  	_ =	swait.eq [sflag:s5], $0x1  }
0x95: {  	[sflag:s5] =	ssyncset.done $0x0  }
0x96: {  	s16 =	sld [smem:$0x10];
	[sflag:s5] =	ssyncadd.s32 $0xFFFFFFFF  }
0x97: {  	s17 =	sld [smem:$0x11];
	(tm) =	ssettm $0x1  }
0x98: {  	s18 =	sld [smem:$0x3FFB];
	_ =	sdelay $0x3  }
0x99: {  	_ =	strace s18  }
0x9a: {  	s6 =	sld [smem:$0x3FFC];
	_ =	sdelay $0x3  }
0x9b: {  	_ =	strace s6  }
0x9c: {  	s6 =	sld [smem:$0x3FFD];
	_ =	sdelay $0x3  }
0x9d: {  	_ =	strace s6  }
0x9e: {  	_ =	strace $0x8FFFFFFF  }
0x9f: {  	s19 =	sld [smem:$0x3FDB];
	_ =	sdelay $0x1  }
0xa0: {  	s7 =	simm.s32 $_scs_section_size  }
0xa1: {  	s8 =	simm.s32 $_size__tile_overlayer_lowered;
	s9 =	simm.s32 $_tile_overlayer_lowered  }
0xa2: {  	s22 =	simm.s32 $0x1BFF;
	s21 =	sshll.u32 s9, $0x1;
	s6 =	sadd.s32 s7, s19  }
0xa3: {  	s10 =	simm.s32 $0x0;
	s20 =	sshll.u32 s8, $0x1;
	s8 =	sadd.s32 s21, s6  }
0xa4: {  	[timem:s10], [sflag:s22] =	dma.local [hbm:s8], s20  }
0xa5: {  	_ =	swait.ge [sflag:s22], s20  }
0xa6: {  	s7 =	ssub.s32 $0x0, s20;
	[sflag:s22] =	ssyncset.done $0x0  }
0xa7: {  	[sflag:s22] =	ssyncadd.s32 s7;
	_ =	sdelay $0x1  }
0xa8: {  	s23 =	simm.s32 $0x1B8B  }
0xa9: {  	_ =	swait.ge [sflag:s23], $0x1  }
0xaa: {  	[sflag:s23] =	ssyncset.done $0x0  }
0xab: {  	s25 =	simm.s32 $0x1B8E;
	s24 =	sld [smem:$0x3FFE];
	[sflag:s23] =	ssyncadd.s32 $0xFFFFFFFF  }
0xac: {  	s26 =	simm.s32 $execute0_lowered;
	[smem:$0x3FD2] =	sst s25  }
0xad: {  	s8 =	sshll.u32 s26, $0x1;
	_ =	strace $0x80000046;
	[dreg:$0x1] =	wrdreg $0xFFFFFFFF  }
0xae: {  	s28 =	simm.s32 $_size_execute0_lowered;
	s6 =	sadd.s32 s6, s8;
	[dreg:$0x0] =	wrdreg $0x0  }
0xaf: {  	s8 =	sshll.u32 s28, $0x1;
	[dreg:$0x2] =	wrdreg s6  }
0xb0: {  	[dreg:$0x3] =	wrdreg s8  }
0xb1: {  	[dreg:$0x4] =	wrdreg $0xC0  }
0xb2: {  	_ =	task [dreg:s10], $0x5FFFF  }
0xb3: {  	[dreg:$0x1] =	wrdreg $0xFFFFFFFF  }
0xb4: {  	[dreg:$0x0] =	wrdreg $0x60  }
0xb5: {  	[dreg:$0x2] =	wrdreg s24  }
0xb6: {  	[dreg:$0x3] =	wrdreg s15  }
0xb7: {  	[dreg:$0x4] =	wrdreg s4  }
0xb8: {  	[dreg:$0x5] =	wrdreg s16  }
0xb9: {  	[dreg:$0x6] =	wrdreg s17  }
0xba: {  	[dreg:$0x7] =	wrdreg $0xE7400  }
0xbb: {  	[dreg:$0x8] =	wrdreg $0x187400  }
0xbc: {  	[dreg:$0x9] =	wrdreg $0x9  }
0xbd: {  	_ =	task.clear_ibuf [dreg:s10], $0xAFFFF;
	_ =	strace $0x90000046  }
0xbe: {  	s29 =	simm.s32 $0x9;
	_ =	strace $0x80000048  }
0xbf: {  	_ =	swait.ge [sflag:s29], $0x1  }
0xc0: {  	[sflag:s29] =	ssyncadd.s32 $0xFFFFFFFF  }
0xc1: {  	_ =	strace $0x90000048  }
0xc2: {  	_ =	sfence  }
0xc3: {  	s30 =	sld [smem:$0x0];
	_ =	sdelay $0x2  }
0xc4: {  	s31 =	sshll.u32 s1, $0xD;
	s1 =	sshrl.u32 s1, $0x2  }
0xc5: {  	s3 =	sand.u32 $0x4000, s31;
	s1 =	sadd.s32 s1, s30  }
0xc6: {  	s0 =	sor.u32 s3, s0;
	s1 =	sshll.u32 s1, $0x11  }
0xc7: {  	s0 =	sor.u32 s1, s0  }
0xc8: {  	s0 =	sadd.s32 $0x8F2B, s0  }
0xc9: {  	[sflag:s0] =	ssyncadd.remote.s32 $0x1  }
0xca: {  	_ =	sfence.sel $0xFFFF  }
0xcb: {  	[dreg:$0x0] =	wrdreg $0xFFFFFFFF;
	(pc) =	sbr.abs _section_cstart, $3  }
0xcc: {  	[dreg:$0x1] =	wrdreg $0xFFFFFFFF  }
0xcd: {  	_ =	task.clear_ibuf [dreg:s10], $0x2FFFF;
	_ =	strace $0x9FFFFFFF  }
0xce: {  	(tm) =	ssettm $0x7FFFFFFF  }
0xcf: {  	_ =	shalt  }
tec
execute0_lowered:
.L_overlay_start_1:
0x0: {  	(tag) =	ssettag $0x1  }
0x1: {  	s0 =	rddreg [dreg:$0x0]  }
0x2: {  	s4 =	rddreg [dreg:$0x1]  }
0x3: {  	s5 =	rddreg [dreg:$0x2]  }
0x4: {  	s6 =	rddreg [dreg:$0x3]  }
0x5: {  	s7 =	rddreg [dreg:$0x4]  }
0x6: {  	s1 =	rddreg [dreg:$0x5]  }
0x7: {  	s2 =	rddreg [dreg:$0x6];
	s8 =	srdreg.scid  }
0x8: {  	s3 =	simm.s32 $0x0;
	s13 =	stileid.u32;
	s17 =	simm.s32 $0x3  }
0x9: {  	s20 =	simm.s32 $0x4;
	s21 =	simm.s32 $0x190;
	s22 =	simm.s32 $0x640  }
0xa: {  	s28 =	simm.s32 $0x2;
	s29 =	simm.s32 $0x0;
	s19 =	sand.u32 $0x1, s8  }
0xb: {  	[smem:$0x7FF] =	sst s3;
	s23 =	sadd.s32 $0x27E00, s0;
	s9 =	smul.u32 $0xA000, s13  }
0xc: {  	s24 =	sadd.s32 $0x29200, s0;
	s30 =	sshll.u32 s13, $0x6;
	s12 =	smul.u32 $0x2800, s13  }
0xd: {  	s15 =	smul.u32 $0x9C4, s13;
	_ =	strace $0x80000047;
	[dreg:$0x8] =	wrdreg s23  }
0xe: {  	s8 =	smul.u32 $0x13880, s19;
	[dreg:$0x9] =	wrdreg s24;
	s25 =	ssub.s32 $0x2, s19  }
0xf: {  	s11 =	smul.u32 $0xA0000, s19;
	p0 =	sne.s32 s19, $0x0;
	s23 =	simm.s32 $0x6A40  }
0x10: {  	s24 =	simm.s32 $0x320;
	s26 =	sshrl.u32 s25, $0x1;
	s16 =	sadd.s32 s9, s1  }
0x11: {  	s31 =	sshrl.u32 s12, $0x3;
	s14 =	sadd.s32 s15, s5;
	s15 =	sadd.s32 s15, s4  }
0x12: {  	s10 =	sadd.s32 s8, s0;
	s0 =	sadd.s32 $0x29800, s0;
	s8 =	sor.u32 $0x1C03, s30  }
0x13: {  	s11 =	sadd.s32 s9, s11;
	s9 =	sadd.s32 s12, s2;
	s16 =	sshrl.u32 s16, $0x3  }
0x14: {  	[dreg:$0xa] =	wrdreg s0;
	s0 =	ssub.s32 s25, s26;
	s11 =	sshrl.u32 s11, $0x3  }
0x15: {  	s10 =	sadd.s32 $0xC00, s10;
	s18 =	sshrl.u32 s9, $0x3;
	s6 =	sadd.s32 s6, s11  }
0x16: {  	s25 =	simm.s32 $0x1;
	[dreg:$0xb] =	wrdreg s6;
	s6 =	sadd.s32 s7, s31  }
0x17: {  	s26 =	simm.s32 $0x4B0;
	s13 =	smax.u32 s0, $0x1;
	[dreg:$0xc] =	wrdreg s6  }
.LBB2_1:
0x18: {  	s0 =	rddreg [dreg:$0x8]  }
0x19: {  	[spmem:s16], [sflag:s8] =	dma.local [hbm:s0], $0x1400  }
0x1a: {  	_ =	swait.ge [sflag:s17], $0x1400  }
0x1b: {  	[sflag:s17] =	ssyncset.done $0x0  }
0x1c: {  	s11 =	rddreg [dreg:$0x9];
	[sflag:s17] =	ssyncadd.s32 $0xFFFFEC00  }
0x1d: {  	[spmem:s18], [sflag:s8] =	dma.local [hbm:s11], $0x500  }
0x1e: {  	_ =	swait.ge [sflag:s17], $0x500  }
0x1f: {  	[sflag:s17] =	ssyncset.done $0x0  }
0x20: {  	s4 =	simm.s32 $0xCE40;
	s12 =	rddreg [dreg:$0xa];
	[sflag:s17] =	ssyncadd.s32 $0xFFFFFB00  }
0x21: {  	[tilespmem:s4], [sflag:$0x3] =	stream.linear.gather [hbm4b:s12+s3], $0x1900, $0x38;
	[tilespmem:$0x1AF40] =	vst v63  }
0x22: {  	_ =	swait.ge [sflag:s17], $0x1900  }
0x23: {  	[sflag:s17] =	ssyncset.done $0x0  }
0x24: {  	[sflag:s17] =	ssyncadd.s32 $0xFFFFE700  }
0x25: {  	s19 =	sadd.s32 $0x0, s15;
	[bflag:$0x0] =	sbarrier.arrive $0xFFFF  }
0x26: {  	[tilespmem:s3], [sflag:$0x4] =	stream.linear.gather [hbm4b:s19+s3], $0x190, $0x38;
	[tilespmem:$0x1AF40] =	vst v63  }
0x27: {  	_ =	swait.ge [sflag:s20], $0x190  }
0x28: {  	[sflag:s20] =	ssyncset.done $0x0  }
0x29: {  	[sflag:s20] =	ssyncadd.s32 $0xFFFFFE70  }
0x2a: {  	[tilespmem:s22], [sflag:$0x1] =	stream.indirect.gather [hbm4b:s10+s21], $0x40, s3, s21, $0xb8;
	[tilespmem:$0x1AF40] =	vst v63  }
0x2b: {  	s0 =	sadd.s32 $0x32, s19  }
0x2c: {  	[tilespmem:s21], [sflag:$0x4] =	stream.linear.gather [hbm4b:s0+s3], $0x190, $0x38;
	[tilespmem:$0x1AF40] =	vst v63  }
0x2d: {  	_ =	swait.ge [sflag:s20], $0x190  }
0x2e: {  	[sflag:s20] =	ssyncset.done $0x0  }
0x2f: {  	[sflag:s20] =	ssyncadd.s32 $0xFFFFFE70  }
0x30: {  	[tilespmem:s23], [sflag:$0x2] =	stream.indirect.gather [hbm4b:s10+s21], $0x40, s21, s21, $0xb8;
	[tilespmem:$0x1AF40] =	vst v63  }
0x31: {  	s5 =	sadd.s32 $0x0, s14  }
0x32: {  	[tilespmem:s24], [sflag:$0x4] =	stream.linear.gather [hbm4b:s5+s3], $0x190, $0x38;
	[tilespmem:$0x1AF40] =	vst v63  }
0x33: {  	_ =	swait.ge [sflag:s20], $0x190  }
0x34: {  	[sflag:s20] =	ssyncset.done $0x0  }
0x35: {  	[sflag:s20] =	ssyncadd.s32 $0xFFFFFE70  }
0x36: {  	_ =	swait.ge [sflag:s25], $0x6400  }
0x37: {  	[sflag:s25] =	ssyncset.done $0x0  }
0x38: {  	[sflag:s25] =	ssyncadd.s32 $0xFFFF9C00  }
0x39: {  	[spmem:s1] =	stream.indirect.scatter.add.f32 [tilespmem:s22], [sflag:$0x4], $0x40, s24, s21, $0xb8;
	[tilespmem:$0x1AF40] =	vst v63  }
0x3a: {  	_ =	swait.ge [sflag:s20], $0x6400  }
0x3b: {  	s30 =	simm.s32 @!p0 $0xCE40;
	s31 =	simm.s32 @!p0 $0x4;
	[sflag:s20] =	ssyncset.done $0x0  }
0x3c: {  	s4 =	simm.s32 @!p0 $0x320;
	s0 =	simm.s32 @!p0 $0x190;
	[sflag:s20] =	ssyncadd.s32 $0xFFFF9C00  }
0x3d: {  	[spmem:s2] =	stream.indirect.scatter.add.f32 @!p0 [tilespmem:s30], [sflag:$0x4], $0x10, s4, s0, $0xb8;
	[tilespmem:$0x1AF40] =	vst v63  }
0x3e: {  	_ =	swait.ge @!p0 [sflag:s31], $0x1900  }
0x3f: {  	[sflag:s31] =	ssyncset.done @!p0 $0x0  }
0x40: {  	s5 =	sadd.s32 $0x32, s5;
	[sflag:s31] =	ssyncadd.s32 @!p0 $0xFFFFE700  }
0x41: {  	[tilespmem:s26], [sflag:$0x4] =	stream.linear.gather [hbm4b:s5+s3], $0x190, $0x38;
	[tilespmem:$0x1AF40] =	vst v63  }
0x42: {  	_ =	swait.ge [sflag:s20], $0x190  }
0x43: {  	[sflag:s20] =	ssyncset.done $0x0  }
0x44: {  	[sflag:s20] =	ssyncadd.s32 $0xFFFFFE70  }
0x45: {  	_ =	swait.ge [sflag:s28], $0x6400  }
0x46: {  	[sflag:s28] =	ssyncset.done $0x0  }
0x47: {  	[sflag:s28] =	ssyncadd.s32 $0xFFFF9C00  }
0x48: {  	[spmem:s1] =	stream.indirect.scatter.add.f32 [tilespmem:s23], [sflag:$0x4], $0x40, s26, s21, $0xb8;
	[tilespmem:$0x1AF40] =	vst v63  }
0x49: {  	_ =	swait.ge [sflag:s20], $0x6400  }
0x4a: {  	[sflag:s20] =	ssyncset.done $0x0  }
0x4b: {  	s6 =	simm.s32 @!p0 $0x4B0;
	s5 =	simm.s32 @!p0 $0x3;
	[sflag:s20] =	ssyncadd.s32 $0xFFFF9C00  }
0x4c: {  	[spmem:s2] =	stream.indirect.scatter.add.f32 @!p0 [tilespmem:s30], [sflag:$0x3], $0x10, s6, s0, $0xb8;
	[tilespmem:$0x1AF40] =	vst v63  }
0x4d: {  	_ =	swait.ge @!p0 [sflag:s5], $0x1900  }
0x4e: {  	s7 =	simm.s32 $0xC8;
	s19 =	simm.s32 $0x64;
	[sflag:s5] =	ssyncset.done @!p0 $0x0  }
.LBB2_2:
0x4f: {  	s11 =	sadd.s32 s19, s15  }
0x50: {  	[sflag:s5] =	ssyncadd.s32 @!p0 $0xFFFFE700;
	s12 =	smov.u32 s7;
	s7 =	sadd.s32 $0x64, s7  }
0x51: {  	[tilespmem:s3], [sflag:$0x4] =	stream.linear.gather [hbm4b:s11+s3], $0x190, $0x38;
	[tilespmem:$0x1AF40] =	vst v63  }
0x52: {  	p1 =	sne.s32 s7, $0x9C4;
	_ =	swait.ge [sflag:s20], $0x190  }
0x53: {  	[sflag:s20] =	ssyncset.done $0x0  }
0x54: {  	[sflag:s20] =	ssyncadd.s32 $0xFFFFFE70  }
0x55: {  	[tilespmem:s22], [sflag:$0x1] =	stream.indirect.gather [hbm4b:s10+s21], $0x40, s3, s21, $0xb8;
	[tilespmem:$0x1AF40] =	vst v63  }
0x56: {  	s11 =	sadd.s32 $0x32, s11  }
0x57: {  	[tilespmem:s21], [sflag:$0x4] =	stream.linear.gather [hbm4b:s11+s3], $0x190, $0x38;
	[tilespmem:$0x1AF40] =	vst v63  }
0x58: {  	_ =	swait.ge [sflag:s20], $0x190  }
0x59: {  	[sflag:s20] =	ssyncset.done $0x0  }
0x5a: {  	[sflag:s20] =	ssyncadd.s32 $0xFFFFFE70  }
0x5b: {  	[tilespmem:s23], [sflag:$0x2] =	stream.indirect.gather [hbm4b:s10+s21], $0x40, s21, s21, $0xb8;
	[tilespmem:$0x1AF40] =	vst v63  }
0x5c: {  	s11 =	sadd.s32 s19, s14;
	s19 =	smov.u32 s12  }
0x5d: {  	[tilespmem:s24], [sflag:$0x4] =	stream.linear.gather [hbm4b:s11+s3], $0x190, $0x38;
	[tilespmem:$0x1AF40] =	vst v63  }
0x5e: {  	_ =	swait.ge [sflag:s20], $0x190  }
0x5f: {  	[sflag:s20] =	ssyncset.done $0x0  }
0x60: {  	[sflag:s20] =	ssyncadd.s32 $0xFFFFFE70  }
0x61: {  	_ =	swait.ge [sflag:s25], $0x6400  }
0x62: {  	[sflag:s25] =	ssyncset.done $0x0  }
0x63: {  	[sflag:s25] =	ssyncadd.s32 $0xFFFF9C00  }
0x64: {  	[spmem:s1] =	stream.indirect.scatter.add.f32 [tilespmem:s22], [sflag:$0x4], $0x40, s24, s21, $0xb8;
	[tilespmem:$0x1AF40] =	vst v63  }
0x65: {  	_ =	swait.ge [sflag:s20], $0x6400  }
0x66: {  	[sflag:s20] =	ssyncset.done $0x0  }
0x67: {  	[sflag:s20] =	ssyncadd.s32 $0xFFFF9C00  }
0x68: {  	[spmem:s2] =	stream.indirect.scatter.add.f32 @!p0 [tilespmem:s30], [sflag:$0x4], $0x10, s4, s0, $0xb8;
	[tilespmem:$0x1AF40] =	vst v63  }
0x69: {  	_ =	swait.ge @!p0 [sflag:s31], $0x1900  }
0x6a: {  	[sflag:s31] =	ssyncset.done @!p0 $0x0  }
0x6b: {  	s11 =	sadd.s32 $0x32, s11;
	[sflag:s31] =	ssyncadd.s32 @!p0 $0xFFFFE700  }
0x6c: {  	[tilespmem:s26], [sflag:$0x4] =	stream.linear.gather [hbm4b:s11+s3], $0x190, $0x38;
	[tilespmem:$0x1AF40] =	vst v63  }
0x6d: {  	_ =	swait.ge [sflag:s20], $0x190  }
0x6e: {  	[sflag:s20] =	ssyncset.done $0x0  }
0x6f: {  	[sflag:s20] =	ssyncadd.s32 $0xFFFFFE70  }
0x70: {  	_ =	swait.ge [sflag:s28], $0x6400  }
0x71: {  	[sflag:s28] =	ssyncset.done $0x0  }
0x72: {  	[sflag:s28] =	ssyncadd.s32 $0xFFFF9C00  }
0x73: {  	[spmem:s1] =	stream.indirect.scatter.add.f32 [tilespmem:s23], [sflag:$0x4], $0x40, s26, s21, $0xb8;
	[tilespmem:$0x1AF40] =	vst v63  }
0x74: {  	_ =	swait.ge [sflag:s20], $0x6400  }
.Ltmp0:
0x75: {  	[sflag:s20] =	ssyncset.done $0x0;
	(pc) =	sbr.rel @p1 .LBB2_2-.Ltmp0, $4  }
0x76: {  	[sflag:s20] =	ssyncadd.s32 $0xFFFF9C00  }
0x77: {  	[spmem:s2] =	stream.indirect.scatter.add.f32 @!p0 [tilespmem:s30], [sflag:$0x3], $0x10, s6, s0, $0xb8;
	[tilespmem:$0x1AF40] =	vst v63  }
0x78: {  	_ =	swait.ge @!p0 [sflag:s5], $0x1900  }
0x79: {  	[sflag:s5] =	ssyncset.done @!p0 $0x0  }
0x7a: {  	s0 =	sadd.s32 s19, s15;
	[sflag:s5] =	ssyncadd.s32 @!p0 $0xFFFFE700  }
0x7b: {  	[tilespmem:s3], [sflag:$0x4] =	stream.linear.gather [hbm4b:s0+s3], $0x190, $0x38;
	[tilespmem:$0x1AF40] =	vst v63  }
0x7c: {  	_ =	swait.ge [sflag:s20], $0x190  }
0x7d: {  	[sflag:s20] =	ssyncset.done $0x0  }
0x7e: {  	[sflag:s20] =	ssyncadd.s32 $0xFFFFFE70  }
0x7f: {  	[tilespmem:s22], [sflag:$0x1] =	stream.indirect.gather [hbm4b:s10+s21], $0x40, s3, s21, $0xb8;
	[tilespmem:$0x1AF40] =	vst v63  }
0x80: {  	s0 =	sadd.s32 $0x32, s0  }
0x81: {  	[tilespmem:s21], [sflag:$0x4] =	stream.linear.gather [hbm4b:s0+s3], $0x190, $0x38;
	[tilespmem:$0x1AF40] =	vst v63  }
0x82: {  	_ =	swait.ge [sflag:s20], $0x190  }
0x83: {  	[sflag:s20] =	ssyncset.done $0x0  }
0x84: {  	[sflag:s20] =	ssyncadd.s32 $0xFFFFFE70  }
0x85: {  	[tilespmem:s23], [sflag:$0x2] =	stream.indirect.gather [hbm4b:s10+s21], $0x40, s21, s21, $0xb8;
	[tilespmem:$0x1AF40] =	vst v63  }
0x86: {  	s30 =	sadd.s32 s19, s14  }
0x87: {  	[tilespmem:s24], [sflag:$0x4] =	stream.linear.gather [hbm4b:s30+s3], $0x190, $0x38;
	[tilespmem:$0x1AF40] =	vst v63  }
0x88: {  	_ =	swait.ge [sflag:s20], $0x190  }
0x89: {  	[sflag:s20] =	ssyncset.done $0x0  }
0x8a: {  	[sflag:s20] =	ssyncadd.s32 $0xFFFFFE70  }
0x8b: {  	_ =	swait.ge [sflag:s25], $0x6400  }
0x8c: {  	[sflag:s25] =	ssyncset.done $0x0  }
0x8d: {  	[sflag:s25] =	ssyncadd.s32 $0xFFFF9C00  }
0x8e: {  	[spmem:s1] =	stream.indirect.scatter.add.f32 [tilespmem:s22], [sflag:$0x4], $0x40, s24, s21, $0xb8;
	[tilespmem:$0x1AF40] =	vst v63  }
0x8f: {  	_ =	swait.ge [sflag:s20], $0x6400  }
0x90: {  	s4 =	simm.s32 @!p0 $0xCE40;
	[sflag:s20] =	ssyncset.done $0x0  }
0x91: {  	s5 =	simm.s32 @!p0 $0x190;
	s6 =	simm.s32 @!p0 $0x320;
	[sflag:s20] =	ssyncadd.s32 $0xFFFF9C00  }
0x92: {  	[spmem:s2] =	stream.indirect.scatter.add.f32 @!p0 [tilespmem:s4], [sflag:$0x4], $0x10, s6, s5, $0xb8;
	[tilespmem:$0x1AF40] =	vst v63  }
0x93: {  	s6 =	simm.s32 @!p0 $0x4  }
0x94: {  	_ =	swait.ge @!p0 [sflag:s6], $0x1900  }
0x95: {  	[sflag:s6] =	ssyncset.done @!p0 $0x0  }
0x96: {  	s0 =	sadd.s32 $0x32, s30;
	[sflag:s6] =	ssyncadd.s32 @!p0 $0xFFFFE700  }
0x97: {  	[tilespmem:s26], [sflag:$0x4] =	stream.linear.gather [hbm4b:s0+s3], $0x190, $0x38;
	[tilespmem:$0x1AF40] =	vst v63  }
0x98: {  	_ =	swait.ge [sflag:s20], $0x190  }
0x99: {  	[sflag:s20] =	ssyncset.done $0x0  }
0x9a: {  	[sflag:s20] =	ssyncadd.s32 $0xFFFFFE70  }
0x9b: {  	_ =	swait.ge [sflag:s28], $0x6400  }
0x9c: {  	[sflag:s28] =	ssyncset.done $0x0  }
0x9d: {  	[sflag:s28] =	ssyncadd.s32 $0xFFFF9C00  }
0x9e: {  	[spmem:s1] =	stream.indirect.scatter.add.f32 [tilespmem:s23], [sflag:$0x4], $0x40, s26, s21, $0xb8;
	[tilespmem:$0x1AF40] =	vst v63  }
0x9f: {  	_ =	swait.ge [sflag:s20], $0x6400  }
0xa0: {  	[sflag:s20] =	ssyncset.done $0x0  }
0xa1: {  	s0 =	simm.s32 @!p0 $0x4B0;
	[sflag:s20] =	ssyncadd.s32 $0xFFFF9C00  }
0xa2: {  	[spmem:s2] =	stream.indirect.scatter.add.f32 @!p0 [tilespmem:s4], [sflag:$0x3], $0x10, s0, s5, $0xb8;
	[tilespmem:$0x1AF40] =	vst v63  }
0xa3: {  	s0 =	simm.s32 @!p0 $0x3  }
0xa4: {  	_ =	swait.ge @!p0 [sflag:s0], $0x1900  }
0xa5: {  	[sflag:s0] =	ssyncset.done @!p0 $0x0  }
0xa6: {  	[sflag:s0] =	ssyncadd.s32 @!p0 $0xFFFFE700  }
0xa7: {  	[bflag:$0x0] =	sbarrier.arrive $0xFFFF  }
0xa8: {  	s31 =	rddreg [dreg:$0xb]  }
0xa9: {  	[hbm:s31], [sflag:s8] =	dma.local [spmem:s16], $0x1400  }
0xaa: {  	s29 =	sadd.s32 $0x1, s29;
	_ =	swait.ge [sflag:s17], $0x1400  }
0xab: {  	p1 =	sne.s32 s29, s13;
	s4 =	sshrl.u32 @!p0 s9, $0x3;
	[sflag:s17] =	ssyncset.done $0x0  }
.Ltmp1:
0xac: {  	s5 =	rddreg [dreg:$0xc];
	[sflag:s17] =	ssyncadd.s32 $0xFFFFEC00;
	(pc) =	sbr.rel @p1 .LBB2_1-.Ltmp1, $4  }
0xad: {  	[hbm:s5], [sflag:s8] =	dma.local @!p0 [spmem:s4], $0x500  }
0xae: {  	_ =	swait.ge @!p0 [sflag:s0], $0x500  }
0xaf: {  	[sflag:s0] =	ssyncset.done @!p0 $0x0  }
0xb0: {  	[sflag:s0] =	ssyncadd.s32 @!p0 $0xFFFFFB00  }
0xb1: {  	_ =	sfence.sel $0x180000  }
0xb2: {  	[bflag:$0x0] =	sbarrier.arrive $0xFFFF  }
0xb3: {  	_ =	strace $0x90000047  }
0xb4: {  	s0 =	stileid.u32;
	[bflag:$0x2] =	sbarrier.arrive $0xFFFF  }
0xb5: {  	p0 =	sne.s32 s0, $0x0;
	s0 =	rddreg [dreg:$0x7]  }
0xb6: {  	s0 =	sadd.s32 @!p0 $0x100000, s0  }
0xb7: {  	[sflag:s0] =	ssyncadd.tile.s32 @!p0 $0x1;
	_ =	shalt  }
.Lfunc_end2:
_tile_overlayer_lowered:
.L_overlay_start_2:
0xb8: {  	(tag) =	ssettag $0x2  }
0xb9: {  	s0 =	rddreg [dreg:$0x0];
	s2 =	stileid.u32  }
0xba: {  	s1 =	rddreg [dreg:$0x1];
	p0 =	sne.s32 s2, $0x0  }
0xbb: {  	s3 =	rddreg [dreg:$0x2];
	[bflag:$0x3] =	sbarrier.arrive $0xFFFF;
	s2 =	simm.s32 @!p0 $0x1C03  }
0xbc: {  	[timem:s3], [sflag:s2] =	dma.local @!p0 [hbm:s0], s1  }
0xbd: {  	s0 =	simm.s32 @!p0 $0x3  }
0xbe: {  	_ =	swait.ge @!p0 [sflag:s0], s1  }
0xbf: {  	s1 =	ssub.s32 @!p0 $0x0, s1;
	[sflag:s0] =	ssyncset.done @!p0 $0x0  }
0xc0: {  	[sflag:s0] =	ssyncadd.s32 @!p0 s1  }
0xc1: {  	[bflag:$0x3] =	sbarrier.arrive $0xFFFF  }
0xc2: {  	_ =	shalt  }

</sc_bundles>
